<compile_context>
chip_gen: v7x
topology: tpu7x:2x2x1
jax: 0.10.2.dev20260603
libtpu: 0.0.44.dev20260713+nightly
codegen_flags: <defaults>
</compile_context>

<pallas_src>
import functools

import jax
import jax.numpy as jnp
from jax import lax
from jax.experimental import pallas as pl
from jax.experimental.pallas import tpu as pltpu
from jax.experimental.pallas import tpu_sc as plsc

N = 10000
E = 320000
H = 128


_C = 80
_ESUB = E // 16
_NCHUNK = _ESUB // _C
_NP = 10240
_NSUB = _NP // 16


def _sc_body(x1_hbm, fcat_hbm, src_hbm, dst_hbm, out_hbm,
             src_v, dst_v, xrows, frows, zbuf, agg_sp, gsem):
    cid = lax.axis_index("c")
    sid = lax.axis_index("s")

    def zero_row(r, carry):
        for g in range(8):
            zbuf[r, pl.ds(g * 16, 16)] = jnp.zeros((16,), jnp.float32)
        return carry

    lax.fori_loop(0, 128, zero_row, 0, unroll=False)
    for k in range(5):
        pltpu.sync_copy(zbuf, agg_sp.at[pl.ds(sid * _NSUB + k * 128, 128)])
    plsc.subcore_barrier()

    def chunk_body(j, carry):
        off = sid * _ESUB + j * _C
        pltpu.sync_copy(src_hbm.at[pl.ds(off, _C)], src_v)
        pltpu.sync_copy(dst_hbm.at[pl.ds(off, _C)], dst_v)
        cp = pltpu.async_copy(x1_hbm.at[src_v], xrows, gsem)
        pltpu.sync_copy(fcat_hbm.at[pl.ds(cid * E + off, _C)], frows)
        cp.wait()

        def mul_row(r, c2):
            for g in range(8):
                sl = pl.ds(g * 16, 16)
                frows[r, sl] = frows[r, sl] * xrows[r, sl]
            return c2

        lax.fori_loop(0, _C, mul_row, 0, unroll=False)
        pltpu.sync_copy(frows, agg_sp.at[dst_v], add=True)
        return carry

    lax.fori_loop(0, _NCHUNK, chunk_body, 0, unroll=False)
    plsc.subcore_barrier()

    pltpu.sync_copy(agg_sp.at[pl.ds(sid * _NSUB, _NSUB)],
                    out_hbm.at[pl.ds(cid * _NP + sid * _NSUB, _NSUB)])


@jax.jit
def _sc_dual_segsum(x1, fcat, src, dst):
    kern = pl.kernel(
        _sc_body,
        out_type=jax.ShapeDtypeStruct((2 * _NP, H), jnp.float32),
        mesh=plsc.VectorSubcoreMesh(core_axis_name="c", subcore_axis_name="s"),
        scratch_types=[
            pltpu.VMEM((_C,), jnp.int32),
            pltpu.VMEM((_C,), jnp.int32),
            pltpu.VMEM((_C, H), jnp.float32),
            pltpu.VMEM((_C, H), jnp.float32),
            pltpu.VMEM((128, H), jnp.float32),
            pltpu.VMEM_SHARED((_NP, H), jnp.float32),
            pltpu.SemaphoreType.DMA,
        ],
    )
    return kern(x1, fcat, src, dst)



_RB = 1000
_EB = 4000


def _pre_body(x_ref, w1_ref, b1_ref, w2_ref, b2_ref, tpc_ref, pe_ref):
    t = jax.nn.relu(jnp.dot(x_ref[...], w1_ref[...],
                            preferred_element_type=jnp.float32) + b1_ref[...])
    tpc_ref[...] = t
    pe_ref[...] = jax.nn.relu(jnp.dot(t, w2_ref[...],
                                      preferred_element_type=jnp.float32) + b2_ref[...])


def _tc_pre(x, w1, b1, w2, b2):
    full = pl.BlockSpec((H, H), lambda i: (0, 0))
    bias = pl.BlockSpec((1, H), lambda i: (0, 0))
    row = pl.BlockSpec((_RB, H), lambda i: (i, 0))
    return pl.pallas_call(
        _pre_body,
        grid=(N // _RB,),
        in_specs=[row, full, bias, full, bias],
        out_specs=[row, row],
        out_shape=[jax.ShapeDtypeStruct((N, H), jnp.float32)] * 2,
    )(x, w1, b1, w2, b2)


def _xf_body(pe_ref, w1_ref, b1_ref, w2_ref, b2_ref, x1_ref, x2_ref):
    p = pe_ref[...]
    x1_ref[...] = jax.nn.relu(jnp.dot(p, w1_ref[...],
                                      preferred_element_type=jnp.float32) + b1_ref[...])
    x2_ref[...] = jax.nn.relu(jnp.dot(p, w2_ref[...],
                                      preferred_element_type=jnp.float32) + b2_ref[...])


def _tc_xf(pe, w1, b1, w2, b2):
    full = pl.BlockSpec((H, H), lambda i: (0, 0))
    bias = pl.BlockSpec((1, H), lambda i: (0, 0))
    row = pl.BlockSpec((_RB, H), lambda i: (i, 0))
    return pl.pallas_call(
        _xf_body,
        grid=(N // _RB,),
        in_specs=[row, full, bias, full, bias],
        out_specs=[row, row],
        out_shape=[jax.ShapeDtypeStruct((N, H), jnp.float32)] * 2,
    )(pe, w1, b1, w2, b2)


def _edge_body(e_ref, w_ref, b_ref, f_ref):
    f_ref[0] = jnp.dot(e_ref[0], w_ref[0],
                       preferred_element_type=jnp.float32) + b_ref[0]


def _tc_edge(ecat, wstack, bstack):
    return pl.pallas_call(
        _edge_body,
        grid=(2, E // _EB),
        in_specs=[
            pl.BlockSpec((1, _EB, 16), lambda c, i: (c, i, 0)),
            pl.BlockSpec((1, 16, H), lambda c, i: (c, 0, 0)),
            pl.BlockSpec((1, 1, H), lambda c, i: (c, 0, 0)),
        ],
        out_specs=pl.BlockSpec((1, _EB, H), lambda c, i: (c, i, 0)),
        out_shape=jax.ShapeDtypeStruct((2, E, H), jnp.float32),
    )(ecat, wstack, bstack)


def _post_body(agg_ref, x1_ref, x2_ref, pe_ref,
               lw0_ref, rw0_ref, p2w_ref, lw1_ref, rw1_ref, e2w_ref,
               c0a_ref, c0b_ref, c1w_ref, fw_ref,
               lb0_ref, p2b_ref, lb1_ref, e2b_ref, c0bias_ref, c1bias_ref,
               fbias_ref, out_ref):
    dot = functools.partial(jnp.dot, preferred_element_type=jnp.float32)
    x1 = x1_ref[...]
    h0 = dot(agg_ref[0], lw0_ref[...]) + dot(x1, rw0_ref[...]) + lb0_ref[...]
    h0 = jax.nn.relu(dot(h0, p2w_ref[...]) + p2b_ref[...])
    h1 = dot(agg_ref[1], lw1_ref[...]) + dot(x1, rw1_ref[...]) + lb1_ref[...]
    h1 = jax.nn.relu(dot(h1, e2w_ref[...]) + e2b_ref[...])
    h = jax.nn.relu(dot(h0, c0a_ref[...]) + dot(h1, c0b_ref[...]) + c0bias_ref[...])
    h = jax.nn.relu(dot(h, c1w_ref[...]) + c1bias_ref[...])
    h = h + x2_ref[...]
    out_ref[...] = dot(h, fw_ref[...]) + fbias_ref[...] + pe_ref[...]


def _tc_post(agg, x1, x2, pe, mats, biases):
    full = pl.BlockSpec((H, H), lambda i: (0, 0))
    bias = pl.BlockSpec((1, H), lambda i: (0, 0))
    row = pl.BlockSpec((_RB, H), lambda i: (i, 0))
    aggs = pl.BlockSpec((2, _RB, H), lambda i: (0, i, 0))
    return pl.pallas_call(
        _post_body,
        grid=(N // _RB,),
        in_specs=[aggs, row, row, row] + [full] * len(mats) + [bias] * len(biases),
        out_specs=row,
        out_shape=jax.ShapeDtypeStruct((N, H), jnp.float32),
    )(agg, x1, x2, pe, *mats, *biases)



def kernel(x, seq_pc_feature, t_pos_embeding, t_feature_edge, edge_index, batch,
           lin_pc_w, lin_pc_b, lin_x_w, lin_x_b, lin_x1_w, lin_x1_b, lin_x2_w,
           lin_x2_b, lin_pos1_w, lin_pos1_b, lin_pos2_w, lin_pos2_b, lin_edge1_w,
           lin_edge1_b, lin_edge2_w, lin_edge2_b, c0_lin_l_w, c0_lin_l_b,
           c0_lin_r_w, c0_lin_r_b, c1_lin_l_w, c1_lin_l_b, c1_lin_r_w, c1_lin_r_b,
           cat0_w, cat0_b, cat1_w, cat1_b, final_w, final_b):
    r1 = lambda v: v.reshape(1, H)
    src = edge_index[0]
    dst = edge_index[1]

    t_pc, pe = _tc_pre(x, lin_pc_w, r1(lin_pc_b), lin_x_w, r1(lin_x_b))

    ecat = jnp.stack([t_pos_embeding, t_feature_edge])

    for b in range(2):
        wstack = jnp.stack([lin_pos1_w[b], lin_edge1_w[b]])
        bstack = jnp.stack([lin_pos1_b[b], lin_edge1_b[b]]).reshape(2, 1, H)
        fcat = _tc_edge(ecat, wstack, bstack).reshape(2 * E, H)

        x1, x2 = _tc_xf(pe, lin_x1_w[b], r1(lin_x1_b[b]),
                        lin_x2_w[b], r1(lin_x2_b[b]))

        agg = _sc_dual_segsum(x1, fcat, src, dst).reshape(2, _NP, H)

        mats = [c0_lin_l_w[b], c0_lin_r_w[b], lin_pos2_w[b],
                c1_lin_l_w[b], c1_lin_r_w[b], lin_edge2_w[b],
                cat0_w[b][:H], cat0_w[b][H:], cat1_w[b], final_w[b]]
        biases = [r1(c0_lin_l_b[b] + c0_lin_r_b[b]), r1(lin_pos2_b[b]),
                  r1(c1_lin_l_b[b] + c1_lin_r_b[b]), r1(lin_edge2_b[b]),
                  r1(cat0_b[b]), r1(cat1_b[b]), r1(final_b[b])]
        pe = _tc_post(agg, x1, x2, pe, mats, biases)

    return jnp.concatenate([t_pc, pe], axis=1)

# --- scband reference (transcript-rebuilt; emitter-appended) ---
"""Pipeline reference for scband-protein-conv-17626545783636 (READ-ONLY COPY).

The authoritative reference and input builder live on the scoring server;
editing this copy changes nothing except your own understanding.
"""

import jax, jax.numpy as jnp
import numpy as np

N = 10000
E = 320000
H = 128
LP = 128
LPOS = 16
LEDGE = 16
NB = 2

BLOCK_SPECS = [("lin_x1", H, H), ("lin_x2", H, H), ("lin_pos1", LPOS, H), ("lin_pos2", H, H), ("lin_edge1", LEDGE, H), ("lin_edge2", H, H), ("c0_lin_l", H, H), ("c0_lin_r", H, H), ("c1_lin_l", H, H), ("c1_lin_r", H, H), ("cat0", 2 * H, H), ("cat1", H, H), ("final", H, H)]


def _lin(key, din, dout):
    k1, k2 = jax.random.split(key)
    s = 1.0 / np.sqrt(din)
    w = jax.random.uniform(k1, (din, dout), minval=-s, maxval=s, dtype=jnp.float32)
    b = jax.random.uniform(k2, (dout,), minval=-s, maxval=s, dtype=jnp.float32)
    return w, b


def setup_inputs(seed: int = 0) -> dict:
    key = jax.random.key(seed)
    inp = {}
    inp["x"] = jax.random.normal(jax.random.fold_in(key, 0), (N, LP), dtype=jnp.float32)
    inp["seq_pc_feature"] = jax.random.normal(jax.random.fold_in(key, 1), (N, H), dtype=jnp.float32)
    inp["t_pos_embeding"] = jax.random.normal(jax.random.fold_in(key, 2), (E, LPOS), dtype=jnp.float32)
    inp["t_feature_edge"] = jax.random.normal(jax.random.fold_in(key, 3), (E, LEDGE), dtype=jnp.float32)
    inp["edge_index"] = jax.random.randint(jax.random.fold_in(key, 4), (2, E), 0, N, dtype=jnp.int32)
    inp["batch"] = jnp.zeros((N,), dtype=jnp.int32)
    w, b = _lin(jax.random.fold_in(key, 5), LP, H)
    inp["lin_pc_w"], inp["lin_pc_b"] = w, b
    w, b = _lin(jax.random.fold_in(key, 6), H, H)
    inp["lin_x_w"], inp["lin_x_b"] = w, b
    for i, (name, din, dout) in enumerate(BLOCK_SPECS):
        ws, bs = [], []
        for blk in range(NB):
            w, b = _lin(jax.random.fold_in(key, 100 + i * NB + blk), din, dout)
            ws.append(w)
            bs.append(b)
        inp[name + "_w"] = jnp.stack(ws)
        inp[name + "_b"] = jnp.stack(bs)
    return inp


def reference(x, seq_pc_feature, t_pos_embeding, t_feature_edge, edge_index, batch, lin_pc_w, lin_pc_b, lin_x_w, lin_x_b, lin_x1_w, lin_x1_b, lin_x2_w, lin_x2_b, lin_pos1_w, lin_pos1_b, lin_pos2_w, lin_pos2_b, lin_edge1_w, lin_edge1_b, lin_edge2_w, lin_edge2_b, c0_lin_l_w, c0_lin_l_b, c0_lin_r_w, c0_lin_r_b, c1_lin_l_w, c1_lin_l_b, c1_lin_r_w, c1_lin_r_b, cat0_w, cat0_b, cat1_w, cat1_b, final_w, final_b):
    # Faithful translation of protein_conv.forward (eval mode: dropout = identity).
    # EdgeGraphConv: message = edge_weight * x[src]; aggregation is sum (PyG default
    # 'add' -- the self.aggr='maen' assignment after super().__init__() is a typo and
    # does not change the resolved aggregation module); out = lin_l(agg) + lin_r(x).
    act = jax.nn.relu
    src = edge_index[0]
    dst = edge_index[1]
    n = x.shape[0]

    def edge_conv(xin, ew, lw, lb, rw, rb):
        msg = ew * jnp.take(xin, src, axis=0)
        agg = jax.ops.segment_sum(msg, dst, num_segments=n)
        return agg @ lw + lb + xin @ rw + rb

    t_pc = act(x @ lin_pc_w + lin_pc_b)
    pe = act(t_pc @ lin_x_w + lin_x_b)
    for b in range(NB):
        x1 = act(pe @ lin_x1_w[b] + lin_x1_b[b])
        x2 = act(pe @ lin_x2_w[b] + lin_x2_b[b])
        f0 = t_pos_embeding @ lin_pos1_w[b] + lin_pos1_b[b]
        h0 = edge_conv(x1, f0, c0_lin_l_w[b], c0_lin_l_b[b], c0_lin_r_w[b], c0_lin_r_b[b])
        h0 = act(h0 @ lin_pos2_w[b] + lin_pos2_b[b])
        f1 = t_feature_edge @ lin_edge1_w[b] + lin_edge1_b[b]
        h1 = edge_conv(x1, f1, c1_lin_l_w[b], c1_lin_l_b[b], c1_lin_r_w[b], c1_lin_r_b[b])
        h1 = act(h1 @ lin_edge2_w[b] + lin_edge2_b[b])
        h = jnp.concatenate([h0, h1], axis=1)
        h = act(h @ cat0_w[b] + cat0_b[b])
        h = act(h @ cat1_w[b] + cat1_b[b])
        h = h + x2
        h = h @ final_w[b] + final_b[b]
        pe = h + pe
    return jnp.concatenate([t_pc, pe], axis=1)

if __name__ == "__main__":
    import jax
    _d = setup_inputs()
    print(jax.jit(kernel)(*tuple(_d.values())))

</pallas_src>

<mosaic_0001>
#map = affine_map<(d0, d1) -> (0, 0)>
#map1 = affine_map<(d0, d1) -> (0)>
module attributes {stable_mosaic.version = 14 : i64} {
  func.func @_sc_body(%arg0: i32, %arg1: i32, %arg2: memref<10000x128xf32, #tpu.memory_space<hbm>>, %arg3: memref<640000x128xf32, #tpu.memory_space<hbm>>, %arg4: memref<320000xi32, #tpu.memory_space<hbm>>, %arg5: memref<320000xi32, #tpu.memory_space<hbm>>, %arg6: memref<20480x128xf32, #tpu.memory_space<hbm>>, %arg7: memref<80xi32, #tpu.memory_space<vmem>>, %arg8: memref<80xi32, #tpu.memory_space<vmem>>, %arg9: memref<80x128xf32, #tpu.memory_space<vmem>>, %arg10: memref<80x128xf32, #tpu.memory_space<vmem>>, %arg11: memref<128x128xf32, #tpu.memory_space<vmem>>, %arg12: memref<10240x128xf32, #tpu.memory_space<vmem_shared>>, %arg13: memref<!tpu.dma_semaphore, #tpu.memory_space<semaphore_mem>>) attributes {dimension_semantics = [#tpu.dimension_semantics<core_parallel>, #tpu.dimension_semantics<subcore_parallel>], iteration_bounds = array<i64: 2, 16>, scalar_prefetch = 0 : i64, scratch_operands = 7 : i64, tpu.core_type = #tpu.core_type<sc_vector_subcore>, window_params = [{transform_indices = #map}, {transform_indices = #map}, {transform_indices = #map1}, {transform_indices = #map1}, {transform_indices = #map}]} {
    %scan3A = arith.constant 0 : i32
    %scan3A_0 = arith.constant 0 : i32
    %scan3A_1 = arith.constant 128 : i32
    %scan3A_2 = arith.addi %scan3A_0, %scan3A_1 : i32
    %scan3A_3 = arith.constant 1 : i32
    scf.for %scan3A_37 = %scan3A_0 to %scan3A_2 step %scan3A_3  : i32 {
      %broadcast_in_dim3A = arith.constant 0.000000e+00 : f32
      %broadcast_in_dim3A_38 = vector.broadcast %broadcast_in_dim3A : f32 to vector<16xf32>
      %swap3A = arith.index_cast %scan3A_37 : i32 to index
      %swap3A_39 = arith.constant 0 : index
      %swap3A_40 = tpu.vector_load %arg11[%swap3A, %swap3A_39] {strides = array<i32>} : memref<128x128xf32, #tpu.memory_space<vmem>>, vector<1x16xf32>,
      %swap3A_41 = vector.shape_cast %swap3A_40 : vector<1x16xf32> to vector<16xf32>
      %swap3A_42 = vector.shape_cast %broadcast_in_dim3A_38 : vector<16xf32> to vector<1x16xf32>
      tpu.vector_store %arg11[%swap3A, %swap3A_39], %swap3A_42 {strides = array<i32>} : memref<128x128xf32, #tpu.memory_space<vmem>>, vector<1x16xf32>,
      %broadcast_in_dim3A_43 = arith.constant 0.000000e+00 : f32
      %broadcast_in_dim3A_44 = vector.broadcast %broadcast_in_dim3A_43 : f32 to vector<16xf32>
      %swap3A_45 = arith.index_cast %scan3A_37 : i32 to index
      %swap3A_46 = arith.constant 16 : index
      %swap3A_47 = tpu.vector_load %arg11[%swap3A_45, %swap3A_46] {strides = array<i32>} : memref<128x128xf32, #tpu.memory_space<vmem>>, vector<1x16xf32>,
      %swap3A_48 = vector.shape_cast %swap3A_47 : vector<1x16xf32> to vector<16xf32>
      %swap3A_49 = vector.shape_cast %broadcast_in_dim3A_44 : vector<16xf32> to vector<1x16xf32>
      tpu.vector_store %arg11[%swap3A_45, %swap3A_46], %swap3A_49 {strides = array<i32>} : memref<128x128xf32, #tpu.memory_space<vmem>>, vector<1x16xf32>,
      %broadcast_in_dim3A_50 = arith.constant 0.000000e+00 : f32
      %broadcast_in_dim3A_51 = vector.broadcast %broadcast_in_dim3A_50 : f32 to vector<16xf32>
      %swap3A_52 = arith.index_cast %scan3A_37 : i32 to index
      %swap3A_53 = arith.constant 32 : index
      %swap3A_54 = tpu.vector_load %arg11[%swap3A_52, %swap3A_53] {strides = array<i32>} : memref<128x128xf32, #tpu.memory_space<vmem>>, vector<1x16xf32>,
      %swap3A_55 = vector.shape_cast %swap3A_54 : vector<1x16xf32> to vector<16xf32>
      %swap3A_56 = vector.shape_cast %broadcast_in_dim3A_51 : vector<16xf32> to vector<1x16xf32>
      tpu.vector_store %arg11[%swap3A_52, %swap3A_53], %swap3A_56 {strides = array<i32>} : memref<128x128xf32, #tpu.memory_space<vmem>>, vector<1x16xf32>,
      %broadcast_in_dim3A_57 = arith.constant 0.000000e+00 : f32
      %broadcast_in_dim3A_58 = vector.broadcast %broadcast_in_dim3A_57 : f32 to vector<16xf32>
      %swap3A_59 = arith.index_cast %scan3A_37 : i32 to index
      %swap3A_60 = arith.constant 48 : index
      %swap3A_61 = tpu.vector_load %arg11[%swap3A_59, %swap3A_60] {strides = array<i32>} : memref<128x128xf32, #tpu.memory_space<vmem>>, vector<1x16xf32>,
      %swap3A_62 = vector.shape_cast %swap3A_61 : vector<1x16xf32> to vector<16xf32>
      %swap3A_63 = vector.shape_cast %broadcast_in_dim3A_58 : vector<16xf32> to vector<1x16xf32>
      tpu.vector_store %arg11[%swap3A_59, %swap3A_60], %swap3A_63 {strides = array<i32>} : memref<128x128xf32, #tpu.memory_space<vmem>>, vector<1x16xf32>,
      %broadcast_in_dim3A_64 = arith.constant 0.000000e+00 : f32
      %broadcast_in_dim3A_65 = vector.broadcast %broadcast_in_dim3A_64 : f32 to vector<16xf32>
      %swap3A_66 = arith.index_cast %scan3A_37 : i32 to index
      %swap3A_67 = arith.constant 64 : index
      %swap3A_68 = tpu.vector_load %arg11[%swap3A_66, %swap3A_67] {strides = array<i32>} : memref<128x128xf32, #tpu.memory_space<vmem>>, vector<1x16xf32>,
      %swap3A_69 = vector.shape_cast %swap3A_68 : vector<1x16xf32> to vector<16xf32>
      %swap3A_70 = vector.shape_cast %broadcast_in_dim3A_65 : vector<16xf32> to vector<1x16xf32>
      tpu.vector_store %arg11[%swap3A_66, %swap3A_67], %swap3A_70 {strides = array<i32>} : memref<128x128xf32, #tpu.memory_space<vmem>>, vector<1x16xf32>,
      %broadcast_in_dim3A_71 = arith.constant 0.000000e+00 : f32
      %broadcast_in_dim3A_72 = vector.broadcast %broadcast_in_dim3A_71 : f32 to vector<16xf32>
      %swap3A_73 = arith.index_cast %scan3A_37 : i32 to index
      %swap3A_74 = arith.constant 80 : index
      %swap3A_75 = tpu.vector_load %arg11[%swap3A_73, %swap3A_74] {strides = array<i32>} : memref<128x128xf32, #tpu.memory_space<vmem>>, vector<1x16xf32>,
      %swap3A_76 = vector.shape_cast %swap3A_75 : vector<1x16xf32> to vector<16xf32>
      %swap3A_77 = vector.shape_cast %broadcast_in_dim3A_72 : vector<16xf32> to vector<1x16xf32>
      tpu.vector_store %arg11[%swap3A_73, %swap3A_74], %swap3A_77 {strides = array<i32>} : memref<128x128xf32, #tpu.memory_space<vmem>>, vector<1x16xf32>,
      %broadcast_in_dim3A_78 = arith.constant 0.000000e+00 : f32
      %broadcast_in_dim3A_79 = vector.broadcast %broadcast_in_dim3A_78 : f32 to vector<16xf32>
      %swap3A_80 = arith.index_cast %scan3A_37 : i32 to index
      %swap3A_81 = arith.constant 96 : index
      %swap3A_82 = tpu.vector_load %arg11[%swap3A_80, %swap3A_81] {strides = array<i32>} : memref<128x128xf32, #tpu.memory_space<vmem>>, vector<1x16xf32>,
      %swap3A_83 = vector.shape_cast %swap3A_82 : vector<1x16xf32> to vector<16xf32>
      %swap3A_84 = vector.shape_cast %broadcast_in_dim3A_79 : vector<16xf32> to vector<1x16xf32>
      tpu.vector_store %arg11[%swap3A_80, %swap3A_81], %swap3A_84 {strides = array<i32>} : memref<128x128xf32, #tpu.memory_space<vmem>>, vector<1x16xf32>,
      %broadcast_in_dim3A_85 = arith.constant 0.000000e+00 : f32
      %broadcast_in_dim3A_86 = vector.broadcast %broadcast_in_dim3A_85 : f32 to vector<16xf32>
      %swap3A_87 = arith.index_cast %scan3A_37 : i32 to index
      %swap3A_88 = arith.constant 112 : index
      %swap3A_89 = tpu.vector_load %arg11[%swap3A_87, %swap3A_88] {strides = array<i32>} : memref<128x128xf32, #tpu.memory_space<vmem>>, vector<1x16xf32>,
      %swap3A_90 = vector.shape_cast %swap3A_89 : vector<1x16xf32> to vector<16xf32>
      %swap3A_91 = vector.shape_cast %broadcast_in_dim3A_86 : vector<16xf32> to vector<1x16xf32>
      tpu.vector_store %arg11[%swap3A_87, %swap3A_88], %swap3A_91 {strides = array<i32>} : memref<128x128xf32, #tpu.memory_space<vmem>>, vector<1x16xf32>,
    }
    %scan3A_4 = arith.constant 128 : i32
    %mul3A = arith.constant 640 : i32
    %mul3A_5 = arith.muli %arg1, %mul3A : i32
    %add3A = arith.constant 0 : i32
    %add3A_6 = arith.addi %mul3A_5, %add3A : i32
    "tpu.region"() ({
      %run_scoped3A = tpu.sem_alloc : memref<!tpu.dma_semaphore, #tpu.memory_space<semaphore_mem>>
      %dma_start3A = arith.constant 0 : i32
      %dma_start3A_37 = tpu.memref_slice %arg12[%add3A_6, %dma_start3A] : memref<10240x128xf32, #tpu.memory_space<vmem_shared>> -> memref<128x128xf32, #tpu.memory_space<vmem_shared>>
      %dma_start3A_38 = arith.constant 0 : i32
      %dma_start3A_39 = tpu.memref_slice %arg12[%add3A_6, %dma_start3A_38] : memref<10240x128xf32, #tpu.memory_space<vmem_shared>> -> memref<128x128xf32, #tpu.memory_space<vmem_shared>>
      tpu.enqueue_dma source(%arg11 : memref<128x128xf32, #tpu.memory_space<vmem>>) target(%dma_start3A_39 : memref<128x128xf32, #tpu.memory_space<vmem_shared>>) target_semaphore(%run_scoped3A : memref<!tpu.dma_semaphore, #tpu.memory_space<semaphore_mem>>)
      %dma_wait3A = arith.constant 0 : i32
      %dma_wait3A_40 = tpu.memref_slice %arg12[%add3A_6, %dma_wait3A] : memref<10240x128xf32, #tpu.memory_space<vmem_shared>> -> memref<128x128xf32, #tpu.memory_space<vmem_shared>>
      %dma_wait3A_41 = arith.constant 0 : i32
      %dma_wait3A_42 = tpu.memref_slice %arg12[%add3A_6, %dma_wait3A_41] : memref<10240x128xf32, #tpu.memory_space<vmem_shared>> -> memref<128x128xf32, #tpu.memory_space<vmem_shared>>
      tpu.wait_dma2 semaphore(%run_scoped3A : memref<!tpu.dma_semaphore, #tpu.memory_space<semaphore_mem>>) src(%arg11 : memref<128x128xf32, #tpu.memory_space<vmem>>) dst(%dma_wait3A_42 : memref<128x128xf32, #tpu.memory_space<vmem_shared>>)
      tpu.yield
    }) : () -> ()
    %mul3A_7 = arith.constant 640 : i32
    %mul3A_8 = arith.muli %arg1, %mul3A_7 : i32
    %add3A_9 = arith.constant 128 : i32
    %add3A_10 = arith.addi %mul3A_8, %add3A_9 : i32
    "tpu.region"() ({
      %run_scoped3A = tpu.sem_alloc : memref<!tpu.dma_semaphore, #tpu.memory_space<semaphore_mem>>
      %dma_start3A = arith.constant 0 : i32
      %dma_start3A_37 = tpu.memref_slice %arg12[%add3A_10, %dma_start3A] : memref<10240x128xf32, #tpu.memory_space<vmem_shared>> -> memref<128x128xf32, #tpu.memory_space<vmem_shared>>
      %dma_start3A_38 = arith.constant 0 : i32
      %dma_start3A_39 = tpu.memref_slice %arg12[%add3A_10, %dma_start3A_38] : memref<10240x128xf32, #tpu.memory_space<vmem_shared>> -> memref<128x128xf32, #tpu.memory_space<vmem_shared>>
      tpu.enqueue_dma source(%arg11 : memref<128x128xf32, #tpu.memory_space<vmem>>) target(%dma_start3A_39 : memref<128x128xf32, #tpu.memory_space<vmem_shared>>) target_semaphore(%run_scoped3A : memref<!tpu.dma_semaphore, #tpu.memory_space<semaphore_mem>>)
      %dma_wait3A = arith.constant 0 : i32
      %dma_wait3A_40 = tpu.memref_slice %arg12[%add3A_10, %dma_wait3A] : memref<10240x128xf32, #tpu.memory_space<vmem_shared>> -> memref<128x128xf32, #tpu.memory_space<vmem_shared>>
      %dma_wait3A_41 = arith.constant 0 : i32
      %dma_wait3A_42 = tpu.memref_slice %arg12[%add3A_10, %dma_wait3A_41] : memref<10240x128xf32, #tpu.memory_space<vmem_shared>> -> memref<128x128xf32, #tpu.memory_space<vmem_shared>>
      tpu.wait_dma2 semaphore(%run_scoped3A : memref<!tpu.dma_semaphore, #tpu.memory_space<semaphore_mem>>) src(%arg11 : memref<128x128xf32, #tpu.memory_space<vmem>>) dst(%dma_wait3A_42 : memref<128x128xf32, #tpu.memory_space<vmem_shared>>)
      tpu.yield
    }) : () -> ()
    %mul3A_11 = arith.constant 640 : i32
    %mul3A_12 = arith.muli %arg1, %mul3A_11 : i32
    %add3A_13 = arith.constant 256 : i32
    %add3A_14 = arith.addi %mul3A_12, %add3A_13 : i32
    "tpu.region"() ({
      %run_scoped3A = tpu.sem_alloc : memref<!tpu.dma_semaphore, #tpu.memory_space<semaphore_mem>>
      %dma_start3A = arith.constant 0 : i32
      %dma_start3A_37 = tpu.memref_slice %arg12[%add3A_14, %dma_start3A] : memref<10240x128xf32, #tpu.memory_space<vmem_shared>> -> memref<128x128xf32, #tpu.memory_space<vmem_shared>>
      %dma_start3A_38 = arith.constant 0 : i32
      %dma_start3A_39 = tpu.memref_slice %arg12[%add3A_14, %dma_start3A_38] : memref<10240x128xf32, #tpu.memory_space<vmem_shared>> -> memref<128x128xf32, #tpu.memory_space<vmem_shared>>
      tpu.enqueue_dma source(%arg11 : memref<128x128xf32, #tpu.memory_space<vmem>>) target(%dma_start3A_39 : memref<128x128xf32, #tpu.memory_space<vmem_shared>>) target_semaphore(%run_scoped3A : memref<!tpu.dma_semaphore, #tpu.memory_space<semaphore_mem>>)
      %dma_wait3A = arith.constant 0 : i32
      %dma_wait3A_40 = tpu.memref_slice %arg12[%add3A_14, %dma_wait3A] : memref<10240x128xf32, #tpu.memory_space<vmem_shared>> -> memref<128x128xf32, #tpu.memory_space<vmem_shared>>
      %dma_wait3A_41 = arith.constant 0 : i32
      %dma_wait3A_42 = tpu.memref_slice %arg12[%add3A_14, %dma_wait3A_41] : memref<10240x128xf32, #tpu.memory_space<vmem_shared>> -> memref<128x128xf32, #tpu.memory_space<vmem_shared>>
      tpu.wait_dma2 semaphore(%run_scoped3A : memref<!tpu.dma_semaphore, #tpu.memory_space<semaphore_mem>>) src(%arg11 : memref<128x128xf32, #tpu.memory_space<vmem>>) dst(%dma_wait3A_42 : memref<128x128xf32, #tpu.memory_space<vmem_shared>>)
      tpu.yield
    }) : () -> ()
    %mul3A_15 = arith.constant 640 : i32
    %mul3A_16 = arith.muli %arg1, %mul3A_15 : i32
    %add3A_17 = arith.constant 384 : i32
    %add3A_18 = arith.addi %mul3A_16, %add3A_17 : i32
    "tpu.region"() ({
      %run_scoped3A = tpu.sem_alloc : memref<!tpu.dma_semaphore, #tpu.memory_space<semaphore_mem>>
      %dma_start3A = arith.constant 0 : i32
      %dma_start3A_37 = tpu.memref_slice %arg12[%add3A_18, %dma_start3A] : memref<10240x128xf32, #tpu.memory_space<vmem_shared>> -> memref<128x128xf32, #tpu.memory_space<vmem_shared>>
      %dma_start3A_38 = arith.constant 0 : i32
      %dma_start3A_39 = tpu.memref_slice %arg12[%add3A_18, %dma_start3A_38] : memref<10240x128xf32, #tpu.memory_space<vmem_shared>> -> memref<128x128xf32, #tpu.memory_space<vmem_shared>>
      tpu.enqueue_dma source(%arg11 : memref<128x128xf32, #tpu.memory_space<vmem>>) target(%dma_start3A_39 : memref<128x128xf32, #tpu.memory_space<vmem_shared>>) target_semaphore(%run_scoped3A : memref<!tpu.dma_semaphore, #tpu.memory_space<semaphore_mem>>)
      %dma_wait3A = arith.constant 0 : i32
      %dma_wait3A_40 = tpu.memref_slice %arg12[%add3A_18, %dma_wait3A] : memref<10240x128xf32, #tpu.memory_space<vmem_shared>> -> memref<128x128xf32, #tpu.memory_space<vmem_shared>>
      %dma_wait3A_41 = arith.constant 0 : i32
      %dma_wait3A_42 = tpu.memref_slice %arg12[%add3A_18, %dma_wait3A_41] : memref<10240x128xf32, #tpu.memory_space<vmem_shared>> -> memref<128x128xf32, #tpu.memory_space<vmem_shared>>
      tpu.wait_dma2 semaphore(%run_scoped3A : memref<!tpu.dma_semaphore, #tpu.memory_space<semaphore_mem>>) src(%arg11 : memref<128x128xf32, #tpu.memory_space<vmem>>) dst(%dma_wait3A_42 : memref<128x128xf32, #tpu.memory_space<vmem_shared>>)
      tpu.yield
    }) : () -> ()
    %mul3A_19 = arith.constant 640 : i32
    %mul3A_20 = arith.muli %arg1, %mul3A_19 : i32
    %add3A_21 = arith.constant 512 : i32
    %add3A_22 = arith.addi %mul3A_20, %add3A_21 : i32
    "tpu.region"() ({
      %run_scoped3A = tpu.sem_alloc : memref<!tpu.dma_semaphore, #tpu.memory_space<semaphore_mem>>
      %dma_start3A = arith.constant 0 : i32
      %dma_start3A_37 = tpu.memref_slice %arg12[%add3A_22, %dma_start3A] : memref<10240x128xf32, #tpu.memory_space<vmem_shared>> -> memref<128x128xf32, #tpu.memory_space<vmem_shared>>
      %dma_start3A_38 = arith.constant 0 : i32
      %dma_start3A_39 = tpu.memref_slice %arg12[%add3A_22, %dma_start3A_38] : memref<10240x128xf32, #tpu.memory_space<vmem_shared>> -> memref<128x128xf32, #tpu.memory_space<vmem_shared>>
      tpu.enqueue_dma source(%arg11 : memref<128x128xf32, #tpu.memory_space<vmem>>) target(%dma_start3A_39 : memref<128x128xf32, #tpu.memory_space<vmem_shared>>) target_semaphore(%run_scoped3A : memref<!tpu.dma_semaphore, #tpu.memory_space<semaphore_mem>>)
      %dma_wait3A = arith.constant 0 : i32
      %dma_wait3A_40 = tpu.memref_slice %arg12[%add3A_22, %dma_wait3A] : memref<10240x128xf32, #tpu.memory_space<vmem_shared>> -> memref<128x128xf32, #tpu.memory_space<vmem_shared>>
      %dma_wait3A_41 = arith.constant 0 : i32
      %dma_wait3A_42 = tpu.memref_slice %arg12[%add3A_22, %dma_wait3A_41] : memref<10240x128xf32, #tpu.memory_space<vmem_shared>> -> memref<128x128xf32, #tpu.memory_space<vmem_shared>>
      tpu.wait_dma2 semaphore(%run_scoped3A : memref<!tpu.dma_semaphore, #tpu.memory_space<semaphore_mem>>) src(%arg11 : memref<128x128xf32, #tpu.memory_space<vmem>>) dst(%dma_wait3A_42 : memref<128x128xf32, #tpu.memory_space<vmem_shared>>)
      tpu.yield
    }) : () -> ()
    %barrier3A = arith.constant 0 : index
    tpu.barrier barrier_id(%barrier3A)
    %scan3A_23 = arith.constant 0 : i32
    %scan3A_24 = arith.constant 0 : i32
    %scan3A_25 = arith.constant 250 : i32
    %scan3A_26 = arith.addi %scan3A_24, %scan3A_25 : i32
    %scan3A_27 = arith.constant 1 : i32
    scf.for %scan3A_37 = %scan3A_24 to %scan3A_26 step %scan3A_27  : i32 {
      %mul3A_38 = arith.constant 20000 : i32
      %mul3A_39 = arith.muli %arg1, %mul3A_38 : i32
      %mul3A_40 = arith.constant 80 : i32
      %mul3A_41 = arith.muli %scan3A_37, %mul3A_40 : i32
      %add3A_42 = arith.addi %mul3A_39, %mul3A_41 : i32
      "tpu.region"() ({
        %run_scoped3A = tpu.sem_alloc : memref<!tpu.dma_semaphore, #tpu.memory_space<semaphore_mem>>
        %dma_start3A_56 = tpu.memref_slice %arg4[%add3A_42] : memref<320000xi32, #tpu.memory_space<hbm>> -> memref<80xi32, #tpu.memory_space<hbm>>
        %dma_start3A_57 = tpu.memref_slice %arg4[%add3A_42] : memref<320000xi32, #tpu.memory_space<hbm>> -> memref<80xi32, #tpu.memory_space<hbm>>
        tpu.enqueue_dma source(%dma_start3A_57 : memref<80xi32, #tpu.memory_space<hbm>>) target(%arg7 : memref<80xi32, #tpu.memory_space<vmem>>) target_semaphore(%run_scoped3A : memref<!tpu.dma_semaphore, #tpu.memory_space<semaphore_mem>>)
        %dma_wait3A_58 = tpu.memref_slice %arg4[%add3A_42] : memref<320000xi32, #tpu.memory_space<hbm>> -> memref<80xi32, #tpu.memory_space<hbm>>
        %dma_wait3A_59 = tpu.memref_slice %arg4[%add3A_42] : memref<320000xi32, #tpu.memory_space<hbm>> -> memref<80xi32, #tpu.memory_space<hbm>>
        tpu.wait_dma2 semaphore(%run_scoped3A : memref<!tpu.dma_semaphore, #tpu.memory_space<semaphore_mem>>) src(%dma_wait3A_59 : memref<80xi32, #tpu.memory_space<hbm>>) dst(%arg7 : memref<80xi32, #tpu.memory_space<vmem>>)
        tpu.yield
      }) : () -> ()
      "tpu.region"() ({
        %run_scoped3A = tpu.sem_alloc : memref<!tpu.dma_semaphore, #tpu.memory_space<semaphore_mem>>
        %dma_start3A_56 = tpu.memref_slice %arg5[%add3A_42] : memref<320000xi32, #tpu.memory_space<hbm>> -> memref<80xi32, #tpu.memory_space<hbm>>
        %dma_start3A_57 = tpu.memref_slice %arg5[%add3A_42] : memref<320000xi32, #tpu.memory_space<hbm>> -> memref<80xi32, #tpu.memory_space<hbm>>
        tpu.enqueue_dma source(%dma_start3A_57 : memref<80xi32, #tpu.memory_space<hbm>>) target(%arg8 : memref<80xi32, #tpu.memory_space<vmem>>) target_semaphore(%run_scoped3A : memref<!tpu.dma_semaphore, #tpu.memory_space<semaphore_mem>>)
        %dma_wait3A_58 = tpu.memref_slice %arg5[%add3A_42] : memref<320000xi32, #tpu.memory_space<hbm>> -> memref<80xi32, #tpu.memory_space<hbm>>
        %dma_wait3A_59 = tpu.memref_slice %arg5[%add3A_42] : memref<320000xi32, #tpu.memory_space<hbm>> -> memref<80xi32, #tpu.memory_space<hbm>>
        tpu.wait_dma2 semaphore(%run_scoped3A : memref<!tpu.dma_semaphore, #tpu.memory_space<semaphore_mem>>) src(%dma_wait3A_59 : memref<80xi32, #tpu.memory_space<hbm>>) dst(%arg8 : memref<80xi32, #tpu.memory_space<vmem>>)
        tpu.yield
      }) : () -> ()
      %dma_start3A = arith.constant 0 : i32
      %dma_start3A_43 = arith.constant 0 : i32
      %dma_start3A_44 = tpu.memref_slice %arg2[%dma_start3A, %dma_start3A_43] : memref<10000x128xf32, #tpu.memory_space<hbm>> -> memref<10000x128xf32, #tpu.memory_space<hbm>>
      tpu.enqueue_indirect_dma source(%dma_start3A_44 : memref<10000x128xf32, #tpu.memory_space<hbm>>) target(%arg9 : memref<80x128xf32, #tpu.memory_space<vmem>>) offsets(%arg7 : memref<80xi32, #tpu.memory_space<vmem>>) semaphore(%arg13 : memref<!tpu.dma_semaphore, #tpu.memory_space<semaphore_mem>>)
      %mul3A_45 = arith.constant 320000 : i32
      %mul3A_46 = arith.muli %arg0, %mul3A_45 : i32
      %add3A_47 = arith.addi %mul3A_46, %add3A_42 : i32
      "tpu.region"() ({
        %run_scoped3A = tpu.sem_alloc : memref<!tpu.dma_semaphore, #tpu.memory_space<semaphore_mem>>
        %dma_start3A_56 = arith.constant 0 : i32
        %dma_start3A_57 = tpu.memref_slice %arg3[%add3A_47, %dma_start3A_56] : memref<640000x128xf32, #tpu.memory_space<hbm>> -> memref<80x128xf32, #tpu.memory_space<hbm>>
        %dma_start3A_58 = arith.constant 0 : i32
        %dma_start3A_59 = tpu.memref_slice %arg3[%add3A_47, %dma_start3A_58] : memref<640000x128xf32, #tpu.memory_space<hbm>> -> memref<80x128xf32, #tpu.memory_space<hbm>>
        tpu.enqueue_dma source(%dma_start3A_59 : memref<80x128xf32, #tpu.memory_space<hbm>>) target(%arg10 : memref<80x128xf32, #tpu.memory_space<vmem>>) target_semaphore(%run_scoped3A : memref<!tpu.dma_semaphore, #tpu.memory_space<semaphore_mem>>)
        %dma_wait3A_60 = arith.constant 0 : i32
        %dma_wait3A_61 = tpu.memref_slice %arg3[%add3A_47, %dma_wait3A_60] : memref<640000x128xf32, #tpu.memory_space<hbm>> -> memref<80x128xf32, #tpu.memory_space<hbm>>
        %dma_wait3A_62 = arith.constant 0 : i32
        %dma_wait3A_63 = tpu.memref_slice %arg3[%add3A_47, %dma_wait3A_62] : memref<640000x128xf32, #tpu.memory_space<hbm>> -> memref<80x128xf32, #tpu.memory_space<hbm>>
        tpu.wait_dma2 semaphore(%run_scoped3A : memref<!tpu.dma_semaphore, #tpu.memory_space<semaphore_mem>>) src(%dma_wait3A_63 : memref<80x128xf32, #tpu.memory_space<hbm>>) dst(%arg10 : memref<80x128xf32, #tpu.memory_space<vmem>>)
        tpu.yield
      }) : () -> ()
      %dma_wait3A = arith.constant 0 : i32
      %dma_wait3A_48 = arith.constant 0 : i32
      %dma_wait3A_49 = tpu.memref_slice %arg2[%dma_wait3A, %dma_wait3A_48] : memref<10000x128xf32, #tpu.memory_space<hbm>> -> memref<10000x128xf32, #tpu.memory_space<hbm>>
      tpu.wait_indirect_dma semaphore(%arg13 : memref<!tpu.dma_semaphore, #tpu.memory_space<semaphore_mem>>) src(%dma_wait3A_49 : memref<10000x128xf32, #tpu.memory_space<hbm>>) dst(%arg9 : memref<80x128xf32, #tpu.memory_space<vmem>>)
      %scan3A_50 = arith.constant 0 : i32
      %scan3A_51 = arith.constant 0 : i32
      %scan3A_52 = arith.constant 80 : i32
      %scan3A_53 = arith.addi %scan3A_51, %scan3A_52 : i32
      %scan3A_54 = arith.constant 1 : i32
      scf.for %scan3A_56 = %scan3A_51 to %scan3A_53 step %scan3A_54  : i32 {
        %get3A = arith.index_cast %scan3A_56 : i32 to index
        %get3A_57 = arith.constant 0 : index
        %get3A_58 = tpu.vector_load %arg10[%get3A, %get3A_57] {strides = array<i32>} : memref<80x128xf32, #tpu.memory_space<vmem>>, vector<1x16xf32>,
        %get3A_59 = vector.shape_cast %get3A_58 : vector<1x16xf32> to vector<16xf32>
        %get3A_60 = arith.index_cast %scan3A_56 : i32 to index
        %get3A_61 = arith.constant 0 : index
        %get3A_62 = tpu.vector_load %arg9[%get3A_60, %get3A_61] {strides = array<i32>} : memref<80x128xf32, #tpu.memory_space<vmem>>, vector<1x16xf32>,
        %get3A_63 = vector.shape_cast %get3A_62 : vector<1x16xf32> to vector<16xf32>
        %mul3A_64 = arith.mulf %get3A_59, %get3A_63 : vector<16xf32>
        %swap3A = arith.index_cast %scan3A_56 : i32 to index
        %swap3A_65 = arith.constant 0 : index
        %swap3A_66 = tpu.vector_load %arg10[%swap3A, %swap3A_65] {strides = array<i32>} : memref<80x128xf32, #tpu.memory_space<vmem>>, vector<1x16xf32>,
        %swap3A_67 = vector.shape_cast %swap3A_66 : vector<1x16xf32> to vector<16xf32>
        %swap3A_68 = vector.shape_cast %mul3A_64 : vector<16xf32> to vector<1x16xf32>
        tpu.vector_store %arg10[%swap3A, %swap3A_65], %swap3A_68 {strides = array<i32>} : memref<80x128xf32, #tpu.memory_space<vmem>>, vector<1x16xf32>,
        %get3A_69 = arith.index_cast %scan3A_56 : i32 to index
        %get3A_70 = arith.constant 16 : index
        %get3A_71 = tpu.vector_load %arg10[%get3A_69, %get3A_70] {strides = array<i32>} : memref<80x128xf32, #tpu.memory_space<vmem>>, vector<1x16xf32>,
        %get3A_72 = vector.shape_cast %get3A_71 : vector<1x16xf32> to vector<16xf32>
        %get3A_73 = arith.index_cast %scan3A_56 : i32 to index
        %get3A_74 = arith.constant 16 : index
        %get3A_75 = tpu.vector_load %arg9[%get3A_73, %get3A_74] {strides = array<i32>} : memref<80x128xf32, #tpu.memory_space<vmem>>, vector<1x16xf32>,
        %get3A_76 = vector.shape_cast %get3A_75 : vector<1x16xf32> to vector<16xf32>
        %mul3A_77 = arith.mulf %get3A_72, %get3A_76 : vector<16xf32>
        %swap3A_78 = arith.index_cast %scan3A_56 : i32 to index
        %swap3A_79 = arith.constant 16 : index
        %swap3A_80 = tpu.vector_load %arg10[%swap3A_78, %swap3A_79] {strides = array<i32>} : memref<80x128xf32, #tpu.memory_space<vmem>>, vector<1x16xf32>,
        %swap3A_81 = vector.shape_cast %swap3A_80 : vector<1x16xf32> to vector<16xf32>
        %swap3A_82 = vector.shape_cast %mul3A_77 : vector<16xf32> to vector<1x16xf32>
        tpu.vector_store %arg10[%swap3A_78, %swap3A_79], %swap3A_82 {strides = array<i32>} : memref<80x128xf32, #tpu.memory_space<vmem>>, vector<1x16xf32>,
        %get3A_83 = arith.index_cast %scan3A_56 : i32 to index
        %get3A_84 = arith.constant 32 : index
        %get3A_85 = tpu.vector_load %arg10[%get3A_83, %get3A_84] {strides = array<i32>} : memref<80x128xf32, #tpu.memory_space<vmem>>, vector<1x16xf32>,
        %get3A_86 = vector.shape_cast %get3A_85 : vector<1x16xf32> to vector<16xf32>
        %get3A_87 = arith.index_cast %scan3A_56 : i32 to index
        %get3A_88 = arith.constant 32 : index
        %get3A_89 = tpu.vector_load %arg9[%get3A_87, %get3A_88] {strides = array<i32>} : memref<80x128xf32, #tpu.memory_space<vmem>>, vector<1x16xf32>,
        %get3A_90 = vector.shape_cast %get3A_89 : vector<1x16xf32> to vector<16xf32>
        %mul3A_91 = arith.mulf %get3A_86, %get3A_90 : vector<16xf32>
        %swap3A_92 = arith.index_cast %scan3A_56 : i32 to index
        %swap3A_93 = arith.constant 32 : index
        %swap3A_94 = tpu.vector_load %arg10[%swap3A_92, %swap3A_93] {strides = array<i32>} : memref<80x128xf32, #tpu.memory_space<vmem>>, vector<1x16xf32>,
        %swap3A_95 = vector.shape_cast %swap3A_94 : vector<1x16xf32> to vector<16xf32>
        %swap3A_96 = vector.shape_cast %mul3A_91 : vector<16xf32> to vector<1x16xf32>
        tpu.vector_store %arg10[%swap3A_92, %swap3A_93], %swap3A_96 {strides = array<i32>} : memref<80x128xf32, #tpu.memory_space<vmem>>, vector<1x16xf32>,
        %get3A_97 = arith.index_cast %scan3A_56 : i32 to index
        %get3A_98 = arith.constant 48 : index
        %get3A_99 = tpu.vector_load %arg10[%get3A_97, %get3A_98] {strides = array<i32>} : memref<80x128xf32, #tpu.memory_space<vmem>>, vector<1x16xf32>,
        %get3A_100 = vector.shape_cast %get3A_99 : vector<1x16xf32> to vector<16xf32>
        %get3A_101 = arith.index_cast %scan3A_56 : i32 to index
        %get3A_102 = arith.constant 48 : index
        %get3A_103 = tpu.vector_load %arg9[%get3A_101, %get3A_102] {strides = array<i32>} : memref<80x128xf32, #tpu.memory_space<vmem>>, vector<1x16xf32>,
        %get3A_104 = vector.shape_cast %get3A_103 : vector<1x16xf32> to vector<16xf32>
        %mul3A_105 = arith.mulf %get3A_100, %get3A_104 : vector<16xf32>
        %swap3A_106 = arith.index_cast %scan3A_56 : i32 to index
        %swap3A_107 = arith.constant 48 : index
        %swap3A_108 = tpu.vector_load %arg10[%swap3A_106, %swap3A_107] {strides = array<i32>} : memref<80x128xf32, #tpu.memory_space<vmem>>, vector<1x16xf32>,
        %swap3A_109 = vector.shape_cast %swap3A_108 : vector<1x16xf32> to vector<16xf32>
        %swap3A_110 = vector.shape_cast %mul3A_105 : vector<16xf32> to vector<1x16xf32>
        tpu.vector_store %arg10[%swap3A_106, %swap3A_107], %swap3A_110 {strides = array<i32>} : memref<80x128xf32, #tpu.memory_space<vmem>>, vector<1x16xf32>,
        %get3A_111 = arith.index_cast %scan3A_56 : i32 to index
        %get3A_112 = arith.constant 64 : index
        %get3A_113 = tpu.vector_load %arg10[%get3A_111, %get3A_112] {strides = array<i32>} : memref<80x128xf32, #tpu.memory_space<vmem>>, vector<1x16xf32>,
        %get3A_114 = vector.shape_cast %get3A_113 : vector<1x16xf32> to vector<16xf32>
        %get3A_115 = arith.index_cast %scan3A_56 : i32 to index
        %get3A_116 = arith.constant 64 : index
        %get3A_117 = tpu.vector_load %arg9[%get3A_115, %get3A_116] {strides = array<i32>} : memref<80x128xf32, #tpu.memory_space<vmem>>, vector<1x16xf32>,
        %get3A_118 = vector.shape_cast %get3A_117 : vector<1x16xf32> to vector<16xf32>
        %mul3A_119 = arith.mulf %get3A_114, %get3A_118 : vector<16xf32>
        %swap3A_120 = arith.index_cast %scan3A_56 : i32 to index
        %swap3A_121 = arith.constant 64 : index
        %swap3A_122 = tpu.vector_load %arg10[%swap3A_120, %swap3A_121] {strides = array<i32>} : memref<80x128xf32, #tpu.memory_space<vmem>>, vector<1x16xf32>,
        %swap3A_123 = vector.shape_cast %swap3A_122 : vector<1x16xf32> to vector<16xf32>
        %swap3A_124 = vector.shape_cast %mul3A_119 : vector<16xf32> to vector<1x16xf32>
        tpu.vector_store %arg10[%swap3A_120, %swap3A_121], %swap3A_124 {strides = array<i32>} : memref<80x128xf32, #tpu.memory_space<vmem>>, vector<1x16xf32>,
        %get3A_125 = arith.index_cast %scan3A_56 : i32 to index
        %get3A_126 = arith.constant 80 : index
        %get3A_127 = tpu.vector_load %arg10[%get3A_125, %get3A_126] {strides = array<i32>} : memref<80x128xf32, #tpu.memory_space<vmem>>, vector<1x16xf32>,
        %get3A_128 = vector.shape_cast %get3A_127 : vector<1x16xf32> to vector<16xf32>
        %get3A_129 = arith.index_cast %scan3A_56 : i32 to index
        %get3A_130 = arith.constant 80 : index
        %get3A_131 = tpu.vector_load %arg9[%get3A_129, %get3A_130] {strides = array<i32>} : memref<80x128xf32, #tpu.memory_space<vmem>>, vector<1x16xf32>,
        %get3A_132 = vector.shape_cast %get3A_131 : vector<1x16xf32> to vector<16xf32>
        %mul3A_133 = arith.mulf %get3A_128, %get3A_132 : vector<16xf32>
        %swap3A_134 = arith.index_cast %scan3A_56 : i32 to index
        %swap3A_135 = arith.constant 80 : index
        %swap3A_136 = tpu.vector_load %arg10[%swap3A_134, %swap3A_135] {strides = array<i32>} : memref<80x128xf32, #tpu.memory_space<vmem>>, vector<1x16xf32>,
        %swap3A_137 = vector.shape_cast %swap3A_136 : vector<1x16xf32> to vector<16xf32>
        %swap3A_138 = vector.shape_cast %mul3A_133 : vector<16xf32> to vector<1x16xf32>
        tpu.vector_store %arg10[%swap3A_134, %swap3A_135], %swap3A_138 {strides = array<i32>} : memref<80x128xf32, #tpu.memory_space<vmem>>, vector<1x16xf32>,
        %get3A_139 = arith.index_cast %scan3A_56 : i32 to index
        %get3A_140 = arith.constant 96 : index
        %get3A_141 = tpu.vector_load %arg10[%get3A_139, %get3A_140] {strides = array<i32>} : memref<80x128xf32, #tpu.memory_space<vmem>>, vector<1x16xf32>,
        %get3A_142 = vector.shape_cast %get3A_141 : vector<1x16xf32> to vector<16xf32>
        %get3A_143 = arith.index_cast %scan3A_56 : i32 to index
        %get3A_144 = arith.constant 96 : index
        %get3A_145 = tpu.vector_load %arg9[%get3A_143, %get3A_144] {strides = array<i32>} : memref<80x128xf32, #tpu.memory_space<vmem>>, vector<1x16xf32>,
        %get3A_146 = vector.shape_cast %get3A_145 : vector<1x16xf32> to vector<16xf32>
        %mul3A_147 = arith.mulf %get3A_142, %get3A_146 : vector<16xf32>
        %swap3A_148 = arith.index_cast %scan3A_56 : i32 to index
        %swap3A_149 = arith.constant 96 : index
        %swap3A_150 = tpu.vector_load %arg10[%swap3A_148, %swap3A_149] {strides = array<i32>} : memref<80x128xf32, #tpu.memory_space<vmem>>, vector<1x16xf32>,
        %swap3A_151 = vector.shape_cast %swap3A_150 : vector<1x16xf32> to vector<16xf32>
        %swap3A_152 = vector.shape_cast %mul3A_147 : vector<16xf32> to vector<1x16xf32>
        tpu.vector_store %arg10[%swap3A_148, %swap3A_149], %swap3A_152 {strides = array<i32>} : memref<80x128xf32, #tpu.memory_space<vmem>>, vector<1x16xf32>,
        %get3A_153 = arith.index_cast %scan3A_56 : i32 to index
        %get3A_154 = arith.constant 112 : index
        %get3A_155 = tpu.vector_load %arg10[%get3A_153, %get3A_154] {strides = array<i32>} : memref<80x128xf32, #tpu.memory_space<vmem>>, vector<1x16xf32>,
        %get3A_156 = vector.shape_cast %get3A_155 : vector<1x16xf32> to vector<16xf32>
        %get3A_157 = arith.index_cast %scan3A_56 : i32 to index
        %get3A_158 = arith.constant 112 : index
        %get3A_159 = tpu.vector_load %arg9[%get3A_157, %get3A_158] {strides = array<i32>} : memref<80x128xf32, #tpu.memory_space<vmem>>, vector<1x16xf32>,
        %get3A_160 = vector.shape_cast %get3A_159 : vector<1x16xf32> to vector<16xf32>
        %mul3A_161 = arith.mulf %get3A_156, %get3A_160 : vector<16xf32>
        %swap3A_162 = arith.index_cast %scan3A_56 : i32 to index
        %swap3A_163 = arith.constant 112 : index
        %swap3A_164 = tpu.vector_load %arg10[%swap3A_162, %swap3A_163] {strides = array<i32>} : memref<80x128xf32, #tpu.memory_space<vmem>>, vector<1x16xf32>,
        %swap3A_165 = vector.shape_cast %swap3A_164 : vector<1x16xf32> to vector<16xf32>
        %swap3A_166 = vector.shape_cast %mul3A_161 : vector<16xf32> to vector<1x16xf32>
        tpu.vector_store %arg10[%swap3A_162, %swap3A_163], %swap3A_166 {strides = array<i32>} : memref<80x128xf32, #tpu.memory_space<vmem>>, vector<1x16xf32>,
      }
      %scan3A_55 = arith.constant 80 : i32
      "tpu.region"() ({
        %run_scoped3A = tpu.sem_alloc : memref<!tpu.dma_semaphore, #tpu.memory_space<semaphore_mem>>
        %dma_start3A_56 = arith.constant 0 : i32
        %dma_start3A_57 = arith.constant 0 : i32
        %dma_start3A_58 = tpu.memref_slice %arg12[%dma_start3A_56, %dma_start3A_57] : memref<10240x128xf32, #tpu.memory_space<vmem_shared>> -> memref<10240x128xf32, #tpu.memory_space<vmem_shared>>
        tpu.enqueue_indirect_dma source(%arg10 : memref<80x128xf32, #tpu.memory_space<vmem>>) target(%dma_start3A_58 : memref<10240x128xf32, #tpu.memory_space<vmem_shared>>) offsets(%arg8 : memref<80xi32, #tpu.memory_space<vmem>>) semaphore(%run_scoped3A : memref<!tpu.dma_semaphore, #tpu.memory_space<semaphore_mem>>) {add = true}
        %dma_wait3A_59 = arith.constant 0 : i32
        %dma_wait3A_60 = arith.constant 0 : i32
        %dma_wait3A_61 = tpu.memref_slice %arg12[%dma_wait3A_59, %dma_wait3A_60] : memref<10240x128xf32, #tpu.memory_space<vmem_shared>> -> memref<10240x128xf32, #tpu.memory_space<vmem_shared>>
        tpu.wait_indirect_dma semaphore(%run_scoped3A : memref<!tpu.dma_semaphore, #tpu.memory_space<semaphore_mem>>) src(%arg10 : memref<80x128xf32, #tpu.memory_space<vmem>>) dst(%dma_wait3A_61 : memref<10240x128xf32, #tpu.memory_space<vmem_shared>>)
        tpu.yield
      }) : () -> ()
    }
    %scan3A_28 = arith.constant 250 : i32
    %barrier3A_29 = arith.constant 0 : index
    tpu.barrier barrier_id(%barrier3A_29)
    %mul3A_30 = arith.constant 640 : i32
    %mul3A_31 = arith.muli %arg1, %mul3A_30 : i32
    %mul3A_32 = arith.constant 10240 : i32
    %mul3A_33 = arith.muli %arg0, %mul3A_32 : i32
    %mul3A_34 = arith.constant 640 : i32
    %mul3A_35 = arith.muli %arg1, %mul3A_34 : i32
    %add3A_36 = arith.addi %mul3A_33, %mul3A_35 : i32
    "tpu.region"() ({
      %run_scoped3A = tpu.sem_alloc : memref<!tpu.dma_semaphore, #tpu.memory_space<semaphore_mem>>
      %dma_start3A = arith.constant 0 : i32
      %dma_start3A_37 = tpu.memref_slice %arg6[%add3A_36, %dma_start3A] : memref<20480x128xf32, #tpu.memory_space<hbm>> -> memref<640x128xf32, #tpu.memory_space<hbm>>
      %dma_start3A_38 = arith.constant 0 : i32
      %dma_start3A_39 = tpu.memref_slice %arg12[%mul3A_31, %dma_start3A_38] : memref<10240x128xf32, #tpu.memory_space<vmem_shared>> -> memref<640x128xf32, #tpu.memory_space<vmem_shared>>
      tpu.enqueue_dma source(%dma_start3A_39 : memref<640x128xf32, #tpu.memory_space<vmem_shared>>) target(%dma_start3A_37 : memref<640x128xf32, #tpu.memory_space<hbm>>) target_semaphore(%run_scoped3A : memref<!tpu.dma_semaphore, #tpu.memory_space<semaphore_mem>>)
      %dma_wait3A = arith.constant 0 : i32
      %dma_wait3A_40 = tpu.memref_slice %arg6[%add3A_36, %dma_wait3A] : memref<20480x128xf32, #tpu.memory_space<hbm>> -> memref<640x128xf32, #tpu.memory_space<hbm>>
      %dma_wait3A_41 = arith.constant 0 : i32
      %dma_wait3A_42 = tpu.memref_slice %arg12[%mul3A_31, %dma_wait3A_41] : memref<10240x128xf32, #tpu.memory_space<vmem_shared>> -> memref<640x128xf32, #tpu.memory_space<vmem_shared>>
      tpu.wait_dma2 semaphore(%run_scoped3A : memref<!tpu.dma_semaphore, #tpu.memory_space<semaphore_mem>>) src(%dma_wait3A_42 : memref<640x128xf32, #tpu.memory_space<vmem_shared>>) dst(%dma_wait3A_40 : memref<640x128xf32, #tpu.memory_space<hbm>>)
      tpu.yield
    }) : () -> ()
    return
  }
}

</mosaic_0001>

<sc_bundles>
// kernel: _sc_dual_segsum.3.cloned.1.call-start
scs
__scs_entry_jumppad:
0x0: {  	(pc) =	sbr.rel $0x88, $3  }
0x1: {  	(tag) =	ssettag $0x0;
	lr =	simm.s32 $0x1  }
0x2: {  	[smem:$0x3F9D] =	sst lr;
	_ =	strace $0xD0000000  }
0x3: {  	_ = 	snop  }
0x4: {  	_ = 	snop  }
0x5: {  	_ = 	snop  }
0x6: {  	_ = 	snop  }
0x7: {  	_ = 	snop  }
__scs_overlays_trampoline_lowered:
0x8: {  	[smem:$0x3FAC] =	sst s0  }
0x9: {  	[smem:$0x3FAD] =	sst s1  }
0xa: {  	[smem:$0x3FAE] =	sst s2  }
0xb: {  	[smem:$0x3FAF] =	sst s3  }
0xc: {  	[smem:$0x3FB0] =	sst s4  }
0xd: {  	[smem:$0x3FB1] =	sst s5  }
0xe: {  	[smem:$0x3FB2] =	sst s6  }
0xf: {  	[smem:$0x3FB3] =	sst s7  }
0x10: {  	[smem:$0x3FB4] =	sst s8  }
0x11: {  	[smem:$0x3FB5] =	sst s9;
	s0 =	simm.s32 @!p0 $0x0  }
0x12: {  	s1 =	sld [smem:$0x3F9B];
	s0 =	simm.s32 @p0 $0x1  }
0x13: {  	[smem:$0x3FB6] =	sst s0;
	s0 =	simm.s32 @!p1 $0x0  }
0x14: {  	s2 =	sld [smem:$0x3F9A];
	s0 =	simm.s32 @p1 $0x1  }
0x15: {  	[smem:$0x3FB7] =	sst s0;
	s0 =	simm.s32 @!p2 $0x0  }
0x16: {  	s3 =	sld [smem:$0x3FDB];
	s0 =	simm.s32 @p2 $0x1  }
0x17: {  	s4 =	simm.s32 $0x1BF5;
	[smem:$0x3FB9] =	sst s0  }
0x18: {  	s0 =	sld [smem:$0x3F9C];
	_ =	swait.ge [sflag:s4], $0x0  }
0x19: {  	s7 =	sld [smem:$0x3F9D]  }
0x1a: {  	s8 =	sadd.s32 $0xFFFFE003, lr  }
0x1b: {  	s9 =	sadd.s32 $0xFFFFFEF7, lr;
	s5 =	simm.s32 $0xFFFFFFFF;
	p2 =	slt.u32 s8, $0xFFFFF086  }
0x1c: {  	p1 =	slt.u32 s9, $0xF7A;
	s5 =	simm.s32 @!p2 $0x0  }
0x1d: {  	s5 =	simm.s32 @p1 $0x1;
	p0 =	seq.s32 s7, s2  }
0x1e: {  	s7 =	smul.u32 @!p0 $0xF7A, s2;
	p2 =	seq.s32 @!p0 s5, $0x0  }
0x1f: {  	s9 =	smul.u32 $0xF7A, s1;
	s8 =	simm.s32 @!p0 $0x1BF5;
	p2 =	por !p2, p0  }
0x20: {  	[sflag:s8] =	ssyncset.s32 @!p0 $0xFFFFF086;
	s6 =	sadd.s32 @!p0 s3, s7;
	s7 =	simm.s32 @!p0 $0x108  }
0x21: {  	s3 =	sadd.s32 s3, s9;
	s6 =	sadd.s32 @!p0 $0x88, s6;
	s7 =	simm.s32 @p2 $0x1082  }
0x22: {  	[simem:s7], [sflag:s8] =	dma.local @!p0 [hbm:s6], $0xF7A  }
0x23: {  	s9 =	sor.u32 $0xD0000000, s2;
	s6 =	simm.s32 $0x108;
	_ =	swait.ge @!p0 [sflag:s8], $0x0  }
0x24: {  	s3 =	sadd.s32 $0x88, s3;
	s6 =	simm.s32 @!p1 $0x1082;
	[sflag:s4] =	ssyncset.s32 $0xFFFFF086  }
0x25: {  	[simem:s6], [sflag:s4] =	dma.local [hbm:s3], $0xF7A  }
0x26: {  	[smem:$0x3F9D] =	sst s1;
	(tag) =	ssettag s2;
	_ =	strace s9  }
0x27: {  	s1 =	sld [smem:$0x3FAD]  }
0x28: {  	s2 =	sld [smem:$0x3FAE]  }
0x29: {  	s4 =	sld [smem:$0x3FB0]  }
0x2a: {  	p0 =	seq.s32 s5, $0x0;
	s5 =	sld [smem:$0x3FB1]  }
0x2b: {  	s6 =	sld [smem:$0x3FB2]  }
0x2c: {  	s7 =	sld [smem:$0x3FB3]  }
0x2d: {  	s3 =	simm.s32 $0x108;
	s8 =	sld [smem:$0x3FB4]  }
0x2e: {  	s3 =	simm.s32 @!p0 $0x1082;
	s9 =	sld [smem:$0x3FB5]  }
0x2f: {  	lr =	sadd.s32 s0, s3;
	s0 =	sld [smem:$0x3FAC]  }
0x30: {  	s3 =	sld [smem:$0x3FAF]  }
0x31: {  	[smem:$0x3FB8] =	sst s10  }
0x32: {  	s10 =	sld [smem:$0x3FB6];
	_ =	sdelay $0x3  }
0x33: {  	p0 =	seq.s32 s10, $0x1;
	s10 =	sld [smem:$0x3FB8];
	_ =	sdelay $0x3  }
0x34: {  	[smem:$0x3FB8] =	sst s10  }
0x35: {  	s10 =	sld [smem:$0x3FB7];
	_ =	sdelay $0x3  }
0x36: {  	p1 =	seq.s32 s10, $0x1;
	s10 =	sld [smem:$0x3FB8];
	_ =	sdelay $0x3  }
0x37: {  	[smem:$0x3FB8] =	sst s10  }
0x38: {  	s10 =	sld [smem:$0x3FB9]  }
0x39: {  	_ = 	snop;
	(pc) =	sbr.ind lr, $3  }
0x3a: {  	_ = 	snop  }
0x3b: {  	_ = 	snop  }
0x3c: {  	p2 =	seq.s32 s10, $0x1;
	s10 =	sld [smem:$0x3FB8]  }
0x3d: {  	_ =	shalt  }
0x3e: {  	_ =	shalt  }
0x3f: {  	_ =	shalt  }
0x40: {  	_ =	shalt  }
0x41: {  	_ =	shalt  }
0x42: {  	_ =	shalt  }
0x43: {  	_ =	shalt  }
0x44: {  	_ =	shalt  }
0x45: {  	_ =	shalt  }
0x46: {  	_ =	shalt  }
0x47: {  	_ =	shalt  }
0x48: {  	_ =	shalt  }
0x49: {  	_ =	shalt  }
0x4a: {  	_ =	shalt  }
0x4b: {  	_ =	shalt  }
0x4c: {  	_ =	shalt  }
0x4d: {  	_ =	shalt  }
0x4e: {  	_ =	shalt  }
0x4f: {  	_ =	shalt  }
0x50: {  	_ =	shalt  }
0x51: {  	_ =	shalt  }
0x52: {  	_ =	shalt  }
0x53: {  	_ =	shalt  }
0x54: {  	_ =	shalt  }
0x55: {  	_ =	shalt  }
0x56: {  	_ =	shalt  }
0x57: {  	_ =	shalt  }
0x58: {  	_ =	shalt  }
0x59: {  	_ =	shalt  }
0x5a: {  	_ =	shalt  }
0x5b: {  	_ =	shalt  }
0x5c: {  	_ =	shalt  }
0x5d: {  	_ =	shalt  }
0x5e: {  	_ =	shalt  }
0x5f: {  	_ =	shalt  }
0x60: {  	_ =	shalt  }
0x61: {  	_ =	shalt  }
0x62: {  	_ =	shalt  }
0x63: {  	_ =	shalt  }
0x64: {  	_ =	shalt  }
0x65: {  	_ =	shalt  }
0x66: {  	_ =	shalt  }
0x67: {  	_ =	shalt  }
0x68: {  	_ =	shalt  }
0x69: {  	_ =	shalt  }
0x6a: {  	_ =	shalt  }
0x6b: {  	_ =	shalt  }
0x6c: {  	_ =	shalt  }
0x6d: {  	_ =	shalt  }
0x6e: {  	_ =	shalt  }
0x6f: {  	_ =	shalt  }
0x70: {  	_ =	shalt  }
0x71: {  	_ =	shalt  }
0x72: {  	_ =	shalt  }
0x73: {  	_ =	shalt  }
0x74: {  	_ =	shalt  }
0x75: {  	_ =	shalt  }
0x76: {  	_ =	shalt  }
0x77: {  	_ =	shalt  }
0x78: {  	_ =	shalt  }
0x79: {  	_ =	shalt  }
0x7a: {  	_ =	shalt  }
0x7b: {  	_ =	shalt  }
0x7c: {  	_ =	shalt  }
0x7d: {  	_ =	shalt  }
0x7e: {  	_ =	shalt  }
0x7f: {  	_ =	shalt  }
0x80: {  	_ =	shalt  }
0x81: {  	_ =	shalt  }
0x82: {  	_ =	shalt  }
0x83: {  	_ =	shalt  }
0x84: {  	_ =	shalt  }
0x85: {  	_ =	shalt  }
0x86: {  	_ =	shalt  }
0x87: {  	_ =	shalt  }
.Lfunc_end0:
.L_simem_size_0:
called_computation_lowered:
.L_overlay_start_0:
0x88: {  	s2 =	sld [smem:$0x3FD9]  }
0x89: {  	s3 =	sld [smem:$0x3FFE];
	_ =	sdelay $0x1  }
0x8a: {  	s1 =	srdreg.scid  }
0x8b: {  	s0 =	sand.u32 $0x1, s1  }
0x8c: {  	s18 =	sshll.u32 s0, $0xA;
	s2 =	sadd.s32 s3, s2  }
0x8d: {  	s2 =	sadd.s32 s2, s18  }
0x8e: {  	[smem:$0x3FC4] =	sst s2  }
0x8f: {  	_ = 	snop  }
0x90: {  	s2 =	sld [smem:$0x3FC9]  }
0x91: {  	s19 =	sld [smem:$0x3FC8]  }
0x92: {  	s4 =	sld [smem:$0x3FC7]  }
0x93: {  	s5 =	sld [smem:$0x3FC6]  }
0x94: {  	s6 =	sld [smem:$0x3FD0];
	(tm) =	ssettm $0x1  }
0x95: {  	s7 =	sld [smem:$0x3FFB];
	_ =	sdelay $0x3  }
0x96: {  	_ =	strace s7  }
0x97: {  	s7 =	sld [smem:$0x3FFC];
	_ =	sdelay $0x3  }
0x98: {  	_ =	strace s7  }
0x99: {  	s7 =	sld [smem:$0x3FFD];
	_ =	sdelay $0x3  }
0x9a: {  	_ =	strace s7  }
0x9b: {  	_ =	strace $0x8FFFFFFF  }
0x9c: {  	s20 =	sld [smem:$0x3FDB];
	_ =	sdelay $0x1  }
0x9d: {  	s8 =	simm.s32 $_scs_section_size  }
0x9e: {  	s9 =	simm.s32 $_size__tile_overlayer_lowered;
	s10 =	simm.s32 $_tile_overlayer_lowered  }
0x9f: {  	s23 =	simm.s32 $0x1BFF;
	s22 =	sshll.u32 s10, $0x1;
	s7 =	sadd.s32 s8, s20  }
0xa0: {  	s11 =	simm.s32 $0x0;
	s21 =	sshll.u32 s9, $0x1;
	s9 =	sadd.s32 s22, s7  }
0xa1: {  	[timem:s11], [sflag:s23] =	dma.local [hbm:s9], s21  }
0xa2: {  	_ =	swait.ge [sflag:s23], s21  }
0xa3: {  	s8 =	ssub.s32 $0x0, s21;
	[sflag:s23] =	ssyncset.done $0x0  }
0xa4: {  	[sflag:s23] =	ssyncadd.s32 s8;
	_ =	sdelay $0x1  }
0xa5: {  	s24 =	simm.s32 $0x1B8B  }
0xa6: {  	_ =	swait.ge [sflag:s24], $0x1  }
0xa7: {  	[sflag:s24] =	ssyncset.done $0x0  }
0xa8: {  	s25 =	simm.s32 $0x1B8E;
	[sflag:s24] =	ssyncadd.s32 $0xFFFFFFFF  }
0xa9: {  	s26 =	simm.s32 $execute0_lowered;
	[smem:$0x3FD2] =	sst s25  }
0xaa: {  	s8 =	sshll.u32 s26, $0x1;
	_ =	strace $0x80000046;
	[dreg:$0x1] =	wrdreg $0xFFFFFFFF  }
0xab: {  	s28 =	simm.s32 $_size_execute0_lowered;
	s7 =	sadd.s32 s7, s8;
	[dreg:$0x0] =	wrdreg $0x0  }
0xac: {  	s8 =	sshll.u32 s28, $0x1;
	[dreg:$0x2] =	wrdreg s7  }
0xad: {  	[dreg:$0x3] =	wrdreg s8  }
0xae: {  	[dreg:$0x4] =	wrdreg $0xC0  }
0xaf: {  	_ =	task [dreg:s11], $0x5FFFF  }
0xb0: {  	[dreg:$0x1] =	wrdreg $0xFFFFFFFF  }
0xb1: {  	[dreg:$0x0] =	wrdreg $0x60  }
0xb2: {  	[dreg:$0x2] =	wrdreg s2  }
0xb3: {  	[dreg:$0x3] =	wrdreg s19  }
0xb4: {  	[dreg:$0x4] =	wrdreg s4  }
0xb5: {  	[dreg:$0x5] =	wrdreg s5  }
0xb6: {  	[dreg:$0x6] =	wrdreg s6  }
0xb7: {  	[dreg:$0x7] =	wrdreg $0x91000  }
0xb8: {  	[dreg:$0x8] =	wrdreg $0x9  }
0xb9: {  	_ =	task.clear_ibuf [dreg:s11], $0x9FFFF;
	_ =	strace $0x90000046  }
0xba: {  	s29 =	simm.s32 $0x9;
	_ =	strace $0x80000048  }
0xbb: {  	_ =	swait.ge [sflag:s29], $0x1  }
0xbc: {  	[sflag:s29] =	ssyncadd.s32 $0xFFFFFFFF  }
0xbd: {  	_ =	strace $0x90000048  }
0xbe: {  	_ =	sfence  }
0xbf: {  	s30 =	sld [smem:$0x0];
	_ =	sdelay $0x2  }
0xc0: {  	s31 =	sshll.u32 s1, $0xD;
	s1 =	sshrl.u32 s1, $0x2  }
0xc1: {  	s3 =	sand.u32 $0x4000, s31;
	s1 =	sadd.s32 s1, s30  }
0xc2: {  	s0 =	sor.u32 s3, s0;
	s1 =	sshll.u32 s1, $0x11  }
0xc3: {  	s0 =	sor.u32 s1, s0  }
0xc4: {  	s0 =	sadd.s32 $0x8F2B, s0  }
0xc5: {  	[sflag:s0] =	ssyncadd.remote.s32 $0x1  }
0xc6: {  	_ =	sfence.sel $0xFFFF  }
0xc7: {  	[dreg:$0x0] =	wrdreg $0xFFFFFFFF;
	(pc) =	sbr.abs _section_cstart, $3  }
0xc8: {  	[dreg:$0x1] =	wrdreg $0xFFFFFFFF  }
0xc9: {  	_ =	task.clear_ibuf [dreg:s11], $0x2FFFF;
	_ =	strace $0x9FFFFFFF  }
0xca: {  	(tm) =	ssettm $0x7FFFFFFF  }
0xcb: {  	_ =	shalt  }
tec
execute0_lowered:
.L_overlay_start_1:
0x0: {  	(tag) =	ssettag $0x1  }
0x1: {  	s1 =	rddreg [dreg:$0x0]  }
0x2: {  	s2 =	rddreg [dreg:$0x1]  }
0x3: {  	s3 =	rddreg [dreg:$0x2]  }
0x4: {  	s5 =	rddreg [dreg:$0x3]  }
0x5: {  	s15 =	rddreg [dreg:$0x4]  }
0x6: {  	s6 =	rddreg [dreg:$0x5]  }
0x7: {  	s0 =	rddreg [dreg:$0x6]  }
0x8: {  	s4 =	stileid.u32;
	s7 =	simm.s32 $0x0;
	s8 =	srdreg.scid  }
0x9: {  	s19 =	simm.s32 $0x80;
	s20 =	simm.s32 $0x50;
	s21 =	simm.s32 $0x100  }
0xa: {  	s22 =	simm.s32 $0x2900;
	s23 =	simm.s32 $0x1;
	s9 =	smul.u32 $0x50000, s4  }
0xb: {  	[smem:$0x7FF] =	sst s7;
	s14 =	sand.u32 $0x1, s8;
	s16 =	smul.u32 $0x2800, s4  }
0xc: {  	s12 =	smul.u32 $0x4E20, s4;
	_ =	strace $0x80000047;
	s10 =	ssub.s32 $0x2, s14  }
0xd: {  	s18 =	smul.u32 $0x28000, s14;
	s30 =	sshrl.u32 s9, $0x2;
	s31 =	sshrl.u32 s10, $0x1  }
0xe: {  	s14 =	smul.u32 $0x4E200, s14;
	s8 =	sadd.s32 s30, s6;
	s17 =	ssub.s32 s10, s31  }
0xf: {  	s16 =	sadd.s32 s16, s18;
	s18 =	simm.s32 $0x2;
	s9 =	sadd.s32 $0x4000, s8  }
0x10: {  	s10 =	sadd.s32 $0x8000, s8;
	s11 =	sadd.s32 $0xC000, s8;
	s13 =	sadd.s32 $0x10000, s8  }
0x11: {  	v0 =	vimm.f32 $0.0e+00;
	s15 =	sadd.s32 s15, s16;
	s16 =	smax.u32 s17, $0x1;
	s17 =	simm.s32 $0x5100  }
.LBB2_1:
0x12: {  	s24 =	simm.s32 $0x0;
	s25 =	simm.s32 $0x200  }
.LBB2_2:
0x13: {  	p0 =	sne.s32 s25, $0xFE00;
	[tilespmem:s24+$0x5170] =	vst v0  }
0x14: {  	[tilespmem:s24+$0x5100] =	vst v0  }
0x15: {  	[tilespmem:s24+$0x5110] =	vst v0  }
.Ltmp0:
0x16: {  	[tilespmem:s24+$0x5120] =	vst v0;
	(pc) =	sbr.rel @p0 .LBB2_2-.Ltmp0, $4  }
0x17: {  	[tilespmem:s24+$0x5130] =	vst v0  }
0x18: {  	[tilespmem:s24+$0x5140] =	vst v0  }
0x19: {  	[tilespmem:s24+$0x5150] =	vst v0  }
0x1a: {  	[tilespmem:s24+$0x5160] =	vst v0;
	s24 =	sshra.s32 s25, $0x2;
	s25 =	sadd.s32 $0x200, s25  }
0x1b: {  	[tilespmem:s24+$0x5170] =	vst v0  }
0x1c: {  	[tilespmem:s24+$0x5100] =	vst v0  }
0x1d: {  	[tilespmem:s24+$0x5110] =	vst v0  }
0x1e: {  	[tilespmem:s24+$0x5120] =	vst v0  }
0x1f: {  	[tilespmem:s24+$0x5130] =	vst v0  }
0x20: {  	[tilespmem:s24+$0x5140] =	vst v0  }
0x21: {  	[tilespmem:s24+$0x5150] =	vst v0  }
0x22: {  	[tilespmem:s24+$0x5160] =	vst v0  }
0x23: {  	[spmem:s8] =	stream.linear.scatter [tilespmem:s17], [sflag:$0x2], $0x4000, $0x38;
	[tilespmem:$0x1D100] =	vst v63  }
0x24: {  	_ =	swait.ge [sflag:s18], $0x4000  }
0x25: {  	[sflag:s18] =	ssyncset.done $0x0  }
0x26: {  	[sflag:s18] =	ssyncadd.s32 $0xFFFFC000  }
0x27: {  	[spmem:s9] =	stream.linear.scatter [tilespmem:s17], [sflag:$0x2], $0x4000, $0x38;
	[tilespmem:$0x1D100] =	vst v63  }
0x28: {  	_ =	swait.ge [sflag:s18], $0x4000  }
0x29: {  	[sflag:s18] =	ssyncset.done $0x0  }
0x2a: {  	[sflag:s18] =	ssyncadd.s32 $0xFFFFC000  }
0x2b: {  	[spmem:s10] =	stream.linear.scatter [tilespmem:s17], [sflag:$0x2], $0x4000, $0x38;
	[tilespmem:$0x1D100] =	vst v63  }
0x2c: {  	_ =	swait.ge [sflag:s18], $0x4000  }
0x2d: {  	[sflag:s18] =	ssyncset.done $0x0  }
0x2e: {  	[sflag:s18] =	ssyncadd.s32 $0xFFFFC000  }
0x2f: {  	[spmem:s11] =	stream.linear.scatter [tilespmem:s17], [sflag:$0x2], $0x4000, $0x38;
	[tilespmem:$0x1D100] =	vst v63  }
0x30: {  	_ =	swait.ge [sflag:s18], $0x4000  }
0x31: {  	[sflag:s18] =	ssyncset.done $0x0  }
0x32: {  	[sflag:s18] =	ssyncadd.s32 $0xFFFFC000  }
0x33: {  	[spmem:s13] =	stream.linear.scatter [tilespmem:s17], [sflag:$0x2], $0x4000, $0x38;
	[tilespmem:$0x1D100] =	vst v63  }
0x34: {  	_ =	swait.ge [sflag:s18], $0x4000  }
0x35: {  	[sflag:s18] =	ssyncset.done $0x0  }
0x36: {  	[sflag:s18] =	ssyncadd.s32 $0xFFFFC000  }
0x37: {  	s24 =	simm.s32 $0x0;
	s25 =	simm.s32 $0x0;
	[bflag:$0x0] =	sbarrier.arrive $0xFFFF  }
.LBB2_4:
0x38: {  	s26 =	smul.u32 $0x50, s25;
	_ =	sdelay $0x1  }
0x39: {  	s26 =	sadd.s32 s12, s26  }
0x3a: {  	s28 =	sshrl.u32 s26, $0x3  }
0x3b: {  	s29 =	sadd.s32 s3, s28  }
0x3c: {  	[tilespmem:s24], [sflag:$0x2] =	stream.linear.gather [hbm4b:s29+s24], $0x50, $0x38;
	[tilespmem:$0x1D100] =	vst v63  }
0x3d: {  	_ =	swait.ge [sflag:s18], $0x50  }
0x3e: {  	[sflag:s18] =	ssyncset.done $0x0  }
0x3f: {  	s28 =	sadd.s32 s5, s28;
	[sflag:s18] =	ssyncadd.s32 $0xFFFFFFB0  }
0x40: {  	[tilespmem:s19], [sflag:$0x2] =	stream.linear.gather [hbm4b:s28+s24], $0x50, $0x38;
	[tilespmem:$0x1D100] =	vst v63  }
0x41: {  	_ =	swait.ge [sflag:s18], $0x50  }
0x42: {  	s26 =	sadd.s32 s14, s26;
	[sflag:s18] =	ssyncset.done $0x0  }
0x43: {  	s26 =	sshll.u32 s26, $0x4;
	[sflag:s18] =	ssyncadd.s32 $0xFFFFFFB0  }
0x44: {  	[tilespmem:s21], [sflag:$0x1] =	stream.indirect.gather [hbm4b:s1+s20], $0x80, s24, s20, $0xb8;
	[tilespmem:$0x1D100] =	vst v63  }
0x45: {  	s26 =	sadd.s32 s2, s26  }
0x46: {  	[tilespmem:s22], [sflag:$0x2] =	stream.linear.gather [hbm4b:s26+s24], $0x2800, $0x38;
	[tilespmem:$0x1D100] =	vst v63  }
0x47: {  	_ =	swait.ge [sflag:s18], $0x2800  }
0x48: {  	[sflag:s18] =	ssyncset.done $0x0  }
0x49: {  	[sflag:s18] =	ssyncadd.s32 $0xFFFFD800  }
0x4a: {  	_ =	swait.ge [sflag:s23], $0x2800  }
0x4b: {  	[sflag:s23] =	ssyncset.done $0x0  }
0x4c: {  	s26 =	simm.s32 $0x0;
	[sflag:s23] =	ssyncadd.s32 $0xFFFFD800  }
0x4d: {  	v8 =	vld [tilespmem:s26+$0x100]  }
0x4e: {  	v12 =	vld [tilespmem:s26+$0x110]  }
0x4f: {  	v6 =	vld [tilespmem:s26+$0x120]  }
0x50: {  	v5 =	vld [tilespmem:s26+$0x130]  }
0x51: {  	v4 =	vld [tilespmem:s26+$0x140]  }
0x52: {  	v3 =	vld [tilespmem:s26+$0x150]  }
0x53: {  	v2 =	vld [tilespmem:s26+$0x160]  }
0x54: {  	v1 =	vld [tilespmem:s26+$0x170]  }
0x55: {  	v13 =	vld [tilespmem:s26+$0x2900]  }
0x56: {  	v14 =	vld [tilespmem:s26+$0x2910]  }
0x57: {  	v11 =	vld [tilespmem:s26+$0x2920]  }
0x58: {  	v10 =	vld [tilespmem:s26+$0x2930]  }
0x59: {  	v9 =	vld [tilespmem:s26+$0x2940]  }
0x5a: {  	v7 =	vld [tilespmem:s26+$0x2950];
	v13 =	vmul.f32 v8, v13  }
0x5b: {  	s28 =	simm.s32 $0x200;
	v12 =	vmul.f32 v12, v14;
	v8 =	vld [tilespmem:s26+$0x2960]  }
.LBB2_5:
0x5c: {  	s29 =	sshra.s32 s28, $0x2;
	p0 =	sne.s32 s28, $0x9E00;
	[tilespmem:s26+$0x2900] =	vst v13;
	v6 =	vmul.f32 v6, v11;
	v11 =	vld [tilespmem:s26+$0x2970]  }
0x5d: {  	v13 =	vld [tilespmem:s29+$0x100];
	[tilespmem:s26+$0x2910] =	vst v12;
	v5 =	vmul.f32 v5, v10  }
0x5e: {  	v12 =	vld [tilespmem:s29+$0x110];
	[tilespmem:s26+$0x2920] =	vst v6;
	v4 =	vmul.f32 v4, v9  }
0x5f: {  	v6 =	vld [tilespmem:s29+$0x120];
	[tilespmem:s26+$0x2930] =	vst v5;
	v3 =	vmul.f32 v3, v7  }
0x60: {  	v5 =	vld [tilespmem:s29+$0x130];
	[tilespmem:s26+$0x2940] =	vst v4;
	v2 =	vmul.f32 v2, v8  }
0x61: {  	v4 =	vld [tilespmem:s29+$0x140];
	[tilespmem:s26+$0x2950] =	vst v3;
	v1 =	vmul.f32 v1, v11  }
0x62: {  	v3 =	vld [tilespmem:s29+$0x150];
	[tilespmem:s26+$0x2960] =	vst v2  }
0x63: {  	v2 =	vld [tilespmem:s29+$0x160];
	[tilespmem:s26+$0x2970] =	vst v1;
	s26 =	smov.u32 s29  }
0x64: {  	v1 =	vld [tilespmem:s26+$0x170]  }
0x65: {  	v7 =	vld [tilespmem:s26+$0x2900]  }
0x66: {  	v8 =	vld [tilespmem:s26+$0x2910]  }
.Ltmp1:
0x67: {  	v11 =	vld [tilespmem:s26+$0x2920];
	(pc) =	sbr.rel @p0 .LBB2_5-.Ltmp1, $4  }
0x68: {  	v10 =	vld [tilespmem:s26+$0x2930]  }
0x69: {  	v9 =	vld [tilespmem:s26+$0x2940]  }
0x6a: {  	v13 =	vmul.f32 v13, v7;
	v7 =	vld [tilespmem:s26+$0x2950]  }
0x6b: {  	s28 =	sadd.s32 $0x200, s28;
	v12 =	vmul.f32 v12, v8;
	v8 =	vld [tilespmem:s26+$0x2960]  }
0x6c: {  	[tilespmem:s26+$0x2900] =	vst v13;
	v6 =	vmul.f32 v6, v11;
	v63 =	vld [tilespmem:s26+$0x2970]  }
0x6d: {  	[tilespmem:s26+$0x2910] =	vst v12;
	v5 =	vmul.f32 v5, v10  }
0x6e: {  	[tilespmem:s26+$0x2920] =	vst v6;
	v4 =	vmul.f32 v4, v9  }
0x6f: {  	[tilespmem:s26+$0x2930] =	vst v5;
	v3 =	vmul.f32 v3, v7  }
0x70: {  	[tilespmem:s26+$0x2940] =	vst v4;
	v2 =	vmul.f32 v2, v8  }
0x71: {  	s25 =	sadd.s32 $0x1, s25;
	[tilespmem:s26+$0x2950] =	vst v3;
	v1 =	vmul.f32 v1, v63  }
0x72: {  	p0 =	sne.s32 s25, $0xFA;
	[tilespmem:s26+$0x2960] =	vst v2  }
.Ltmp2:
0x73: {  	[tilespmem:s26+$0x2970] =	vst v1;
	(pc) =	sbr.rel @p0 .LBB2_4-.Ltmp2, $4  }
0x74: {  	[spmem:s6] =	stream.indirect.scatter.add.f32 [tilespmem:s22], [sflag:$0x2], $0x80, s19, s20, $0xb8;
	[tilespmem:$0x1D100] =	vst v63  }
0x75: {  	_ =	swait.ge [sflag:s18], $0x2800  }
0x76: {  	[sflag:s18] =	ssyncset.done $0x0  }
0x77: {  	[sflag:s18] =	ssyncadd.s32 $0xFFFFD800  }
0x78: {  	s7 =	sadd.s32 $0x1, s7  }
0x79: {  	s24 =	sshll.u32 s4, $0x6;
	[bflag:$0x0] =	sbarrier.arrive $0xFFFF;
	p0 =	sne.s32 s7, s16  }
.Ltmp3:
0x7a: {  	s25 =	sshrl.u32 s8, $0x3;
	s24 =	sor.u32 $0x1C02, s24;
	(pc) =	sbr.rel @p0 .LBB2_1-.Ltmp3, $4  }
0x7b: {  	[hbm:s15], [sflag:s24] =	dma.local [spmem:s25], $0x2800  }
0x7c: {  	_ =	swait.ge [sflag:s18], $0x2800  }
0x7d: {  	[sflag:s18] =	ssyncset.done $0x0  }
0x7e: {  	[sflag:s18] =	ssyncadd.s32 $0xFFFFD800  }
0x7f: {  	_ =	sfence.sel $0x180000  }
0x80: {  	[bflag:$0x0] =	sbarrier.arrive $0xFFFF  }
0x81: {  	p0 =	sne.s32 s4, $0x0;
	_ =	strace $0x90000047  }
0x82: {  	s0 =	sadd.s32 @!p0 $0x100000, s0;
	[bflag:$0x2] =	sbarrier.arrive $0xFFFF  }
0x83: {  	[sflag:s0] =	ssyncadd.tile.s32 @!p0 $0x1;
	_ =	shalt  }
.Lfunc_end2:
_tile_overlayer_lowered:
.L_overlay_start_2:
0x84: {  	(tag) =	ssettag $0x2  }
0x85: {  	s0 =	rddreg [dreg:$0x0];
	s2 =	stileid.u32  }
0x86: {  	s1 =	rddreg [dreg:$0x1];
	p0 =	sne.s32 s2, $0x0  }
0x87: {  	s3 =	rddreg [dreg:$0x2];
	[bflag:$0x3] =	sbarrier.arrive $0xFFFF;
	s2 =	simm.s32 @!p0 $0x1C02  }
0x88: {  	[timem:s3], [sflag:s2] =	dma.local @!p0 [hbm:s0], s1  }
0x89: {  	s0 =	simm.s32 @!p0 $0x2  }
0x8a: {  	_ =	swait.ge @!p0 [sflag:s0], s1  }
0x8b: {  	s1 =	ssub.s32 @!p0 $0x0, s1;
	[sflag:s0] =	ssyncset.done @!p0 $0x0  }
0x8c: {  	[sflag:s0] =	ssyncadd.s32 @!p0 s1  }
0x8d: {  	[bflag:$0x3] =	sbarrier.arrive $0xFFFF  }
0x8e: {  	_ =	shalt  }

</sc_bundles>
